<compile_context>
chip_gen: v7x
topology: tpu7x:2x2x1
jax: 0.10.2.dev20260603
libtpu: 0.0.44.dev20260713+nightly
codegen_flags: <defaults>
</compile_context>

<pallas_src>
import functools

import jax
import jax.numpy as jnp
from jax import lax
from jax.experimental import pallas as pl
from jax.experimental.pallas import tpu as pltpu
from jax.experimental.pallas import tpu_sc as plsc

_NUM_REGIONS = 116
_RPAD = 128
_LANES = 16
_NC, _NS = 2, 16
_NW = _NC * _NS
_EPS = 1e-6
_GAMMA = 0.001
_COLS = 512


@functools.partial(jax.jit, static_argnums=(3,))
def _sc_hist(real_2d, fake_2d, ids_2d, chunk_rows):
    rows = real_2d.shape[0]
    rows_per_w = rows // _NW
    n_chunks = rows_per_w // chunk_rows
    groups = chunk_rows * _COLS // _LANES
    mesh = plsc.VectorSubcoreMesh(core_axis_name="c", subcore_axis_name="s")

    @functools.partial(
        pl.kernel,
        mesh=mesh,
        out_type=[
            jax.ShapeDtypeStruct((_NW * _LANES, _RPAD), jnp.float32),
            jax.ShapeDtypeStruct((_NW * _LANES, _RPAD), jnp.float32),
        ],
        scratch_types=[
            pltpu.VMEM((2 * chunk_rows, _COLS), jnp.float32),
            pltpu.VMEM((2 * chunk_rows, _COLS), jnp.float32),
            pltpu.VMEM((2 * chunk_rows, _COLS), jnp.int32),
            pltpu.VMEM((_LANES, _RPAD), jnp.float32),
            pltpu.VMEM((_LANES, _RPAD), jnp.float32),
            pltpu.SemaphoreType.DMA,
            pltpu.SemaphoreType.DMA,
        ],
        compiler_params=pltpu.CompilerParams(needs_layout_passes=False),
    )
    def hist(real_hbm, fake_hbm, ids_hbm, out_s, out_c,
             rbuf, fbuf, ibuf, accs, accc, sem0, sem1):
        cid = lax.axis_index("c")
        sid = lax.axis_index("s")
        wid = sid * _NC + cid
        base = wid * rows_per_w
        sems = (sem0, sem1)

        def start_fetch(ci, slot):
            r0 = base + ci * chunk_rows
            b0 = slot * chunk_rows
            pltpu.async_copy(real_hbm.at[pl.ds(r0, chunk_rows), :],
                             rbuf.at[pl.ds(b0, chunk_rows), :], sems[slot])
            pltpu.async_copy(fake_hbm.at[pl.ds(r0, chunk_rows), :],
                             fbuf.at[pl.ds(b0, chunk_rows), :], sems[slot])
            pltpu.async_copy(ids_hbm.at[pl.ds(r0, chunk_rows), :],
                             ibuf.at[pl.ds(b0, chunk_rows), :], sems[slot])

        start_fetch(0, 0)

        zeros16 = jnp.zeros((_LANES,), jnp.float32)

        def zero_body(i, _):
            def zrow(j, _):
                accs[i, pl.ds(j * _LANES, _LANES)] = zeros16
                accc[i, pl.ds(j * _LANES, _LANES)] = zeros16
                return 0
            lax.fori_loop(0, _RPAD // _LANES, zrow, 0)
            return 0

        lax.fori_loop(0, _LANES, zero_body, 0)

        lane_iota = lax.iota(jnp.int32, _LANES)
        ones16 = jnp.ones((_LANES,), jnp.float32)

        def wait_fetch(ci, slot):
            r0 = base + ci * chunk_rows
            b0 = slot * chunk_rows
            pltpu.make_async_copy(real_hbm.at[pl.ds(r0, chunk_rows), :],
                                  rbuf.at[pl.ds(b0, chunk_rows), :],
                                  sems[slot]).wait()
            pltpu.make_async_copy(fake_hbm.at[pl.ds(r0, chunk_rows), :],
                                  fbuf.at[pl.ds(b0, chunk_rows), :],
                                  sems[slot]).wait()
            pltpu.make_async_copy(ids_hbm.at[pl.ds(r0, chunk_rows), :],
                                  ibuf.at[pl.ds(b0, chunk_rows), :],
                                  sems[slot]).wait()

        gpr = _COLS // _LANES

        def chunk_body(ci, _):
            parity = lax.rem(ci, 2)

            @pl.when(jnp.logical_and(ci + 1 < n_chunks, parity == 0))
            def _():
                start_fetch(ci + 1, 1)

            @pl.when(jnp.logical_and(ci + 1 < n_chunks, parity == 1))
            def _():
                start_fetch(ci + 1, 0)

            @pl.when(parity == 0)
            def _():
                wait_fetch(ci, 0)

            @pl.when(parity == 1)
            def _():
                wait_fetch(ci, 1)

            base_row = parity * chunk_rows

            @plsc.parallel_loop(0, groups, unroll=8)
            def _(i):
                row = base_row + i // gpr
                col = (i % gpr) * _LANES
                r = rbuf[row, pl.ds(col, _LANES)]
                f = fbuf[row, pl.ds(col, _LANES)]
                ids = ibuf[row, pl.ds(col, _LANES)]
                d = jnp.abs(r - f)
                plsc.addupdate_scatter(accs, [lane_iota, ids], d)
                plsc.addupdate_scatter(accc, [lane_iota, ids], ones16)
            return 0

        lax.fori_loop(0, n_chunks, chunk_body, 0)

        pltpu.sync_copy(accs, out_s.at[pl.ds(wid * _LANES, _LANES), :])
        pltpu.sync_copy(accc, out_c.at[pl.ds(wid * _LANES, _LANES), :])

    return hist(real_2d, fake_2d, ids_2d)


def _epilogue_kernel(sp_ref, cp_ref, ml_ref, inv_n_ref, out_ref):
    sums = jnp.sum(sp_ref[...], axis=0)
    cnts = jnp.sum(cp_ref[...], axis=0)
    means = sums / (cnts + _EPS)
    mx = jnp.maximum(jnp.max(means), ml_ref[0])
    total = jnp.sum(sums)
    weighted = jnp.sum(means * sums)
    out_ref[0, 0] = (total + _GAMMA * weighted / (mx + _EPS)) * inv_n_ref[0]


def _epilogue(sp, cp, max_l1_loss, inv_n):
    return pl.pallas_call(
        _epilogue_kernel,
        out_shape=jax.ShapeDtypeStruct((1, 1), jnp.float32),
        in_specs=[
            pl.BlockSpec(memory_space=pltpu.VMEM),
            pl.BlockSpec(memory_space=pltpu.VMEM),
            pl.BlockSpec(memory_space=pltpu.SMEM),
            pl.BlockSpec(memory_space=pltpu.SMEM),
        ],
        out_specs=pl.BlockSpec(memory_space=pltpu.SMEM),
    )(sp, cp, max_l1_loss, inv_n)


def kernel(real, fake, region_map, regions, max_l1_loss):
    n = real.size
    rows = n // _COLS
    real_2d = real.reshape(rows, _COLS)
    fake_2d = fake.reshape(rows, _COLS)
    ids_2d = region_map.reshape(rows, _COLS)
    sp, cp = _sc_hist(real_2d, fake_2d, ids_2d, 16)
    inv_n = jnp.full((1,), 1.0 / n, dtype=jnp.float32)
    out = _epilogue(sp, cp, max_l1_loss, inv_n)
    return out[0, 0]

# --- scband reference (transcript-rebuilt; emitter-appended) ---
"""Pipeline reference for scband-region-l1-loss-max-57982058496540 (READ-ONLY COPY).

The authoritative reference and input builder live on the scoring server;
editing this copy changes nothing except your own understanding.
"""

import jax, jax.numpy as jnp
import numpy as np

NUM_REGIONS = 116


def setup_inputs(seed: int = 0) -> dict:
    key = jax.random.key(seed)
    k1, k2, k3 = jax.random.split(key, 3)
    real = jax.random.normal(k1, (4, 3, 512, 512), dtype=jnp.float32)
    fake = jax.random.normal(k2, (4, 3, 512, 512), dtype=jnp.float32)
    region_map = jax.random.randint(k3, (4, 3, 512, 512), 0, NUM_REGIONS, dtype=jnp.int32)
    max_l1_loss = jnp.zeros((1,), dtype=jnp.float32)  # registered buffer
    return {"real": real, "fake": fake, "region_map": region_map, "regions": NUM_REGIONS, "max_l1_loss": max_l1_loss}


def reference(real, fake, region_map, regions, max_l1_loss):
    eps = 1e-06
    gamma = 0.001
    # pixel-wise L1 loss (reduction='none')
    whole_loss = jnp.abs(real - fake)
    flat_ids = region_map.reshape(-1)
    flat_loss = whole_loss.reshape(-1)
    # per-region masked sum and count (equivalent to looping rid in range(116))
    sums = jax.ops.segment_sum(flat_loss, flat_ids, num_segments=NUM_REGIONS)
    counts = jax.ops.segment_sum(jnp.ones_like(flat_loss), flat_ids, num_segments=NUM_REGIONS)
    means = sums / (counts + eps)
    # sequential torch.maximum(loss_mean.detach(), max_l1_loss) over all rids == max over detached means and buffer
    max_l1 = jnp.maximum(jax.lax.stop_gradient(jnp.max(means)), max_l1_loss[0])
    # region weights: w = 1 + gamma * (rloss_mean / (max_l1 + eps)); rloss_mean NOT detached here
    w = 1.0 + gamma * (means / (max_l1 + eps))
    # weighted_loss = sum_r w_r * (whole_loss * mask_r); masks partition pixels -> gather weight per pixel
    weighted_loss = whole_loss * w[region_map]
    return weighted_loss.mean()

if __name__ == "__main__":
    import jax
    _d = setup_inputs()
    print(jax.jit(kernel)(*tuple(_d.values())))

</pallas_src>

<mosaic_0001>
#map = affine_map<(d0, d1) -> (0, 0)>
module attributes {stable_mosaic.version = 14 : i64} {
  func.func @hist(%arg0: i32, %arg1: i32, %arg2: memref<6144x512xf32, #tpu.memory_space<hbm>>, %arg3: memref<6144x512xf32, #tpu.memory_space<hbm>>, %arg4: memref<6144x512xi32, #tpu.memory_space<hbm>>, %arg5: memref<512x128xf32, #tpu.memory_space<hbm>>, %arg6: memref<512x128xf32, #tpu.memory_space<hbm>>, %arg7: memref<32x512xf32, #tpu.memory_space<vmem>>, %arg8: memref<32x512xf32, #tpu.memory_space<vmem>>, %arg9: memref<32x512xi32, #tpu.memory_space<vmem>>, %arg10: memref<16x128xf32, #tpu.memory_space<vmem>>, %arg11: memref<16x128xf32, #tpu.memory_space<vmem>>, %arg12: memref<!tpu.dma_semaphore, #tpu.memory_space<semaphore_mem>>, %arg13: memref<!tpu.dma_semaphore, #tpu.memory_space<semaphore_mem>>) attributes {dimension_semantics = [#tpu.dimension_semantics<core_parallel>, #tpu.dimension_semantics<subcore_parallel>], iteration_bounds = array<i64: 2, 16>, scalar_prefetch = 0 : i64, scratch_operands = 7 : i64, tpu.core_type = #tpu.core_type<sc_vector_subcore>, window_params = [{transform_indices = #map}, {transform_indices = #map}, {transform_indices = #map}, {transform_indices = #map}, {transform_indices = #map}]} {
    %mul3A = arith.constant 2 : i32
    %mul3A_0 = arith.muli %arg1, %mul3A : i32
    %add3A = arith.addi %mul3A_0, %arg0 : i32
    %mul3A_1 = arith.constant 192 : i32
    %mul3A_2 = arith.muli %add3A, %mul3A_1 : i32
    %add3A_3 = arith.constant 0 : i32
    %add3A_4 = arith.addi %mul3A_2, %add3A_3 : i32
    %dma_start3A = arith.constant 0 : i32
    %dma_start3A_5 = arith.constant 0 : i32
    %dma_start3A_6 = tpu.memref_slice %arg7[%dma_start3A, %dma_start3A_5] : memref<32x512xf32, #tpu.memory_space<vmem>> -> memref<16x512xf32, #tpu.memory_space<vmem>>
    %dma_start3A_7 = arith.constant 0 : i32
    %dma_start3A_8 = tpu.memref_slice %arg2[%add3A_4, %dma_start3A_7] : memref<6144x512xf32, #tpu.memory_space<hbm>> -> memref<16x512xf32, #tpu.memory_space<hbm>>
    %dma_start3A_9 = arith.constant 0 : i32
    %dma_start3A_10 = arith.constant 0 : i32
    %dma_start3A_11 = tpu.memref_slice %arg7[%dma_start3A_9, %dma_start3A_10] : memref<32x512xf32, #tpu.memory_space<vmem>> -> memref<16x512xf32, #tpu.memory_space<vmem>>
    %dma_start3A_12 = arith.constant 0 : i32
    %dma_start3A_13 = tpu.memref_slice %arg2[%add3A_4, %dma_start3A_12] : memref<6144x512xf32, #tpu.memory_space<hbm>> -> memref<16x512xf32, #tpu.memory_space<hbm>>
    tpu.enqueue_dma source(%dma_start3A_13 : memref<16x512xf32, #tpu.memory_space<hbm>>) target(%dma_start3A_11 : memref<16x512xf32, #tpu.memory_space<vmem>>) target_semaphore(%arg12 : memref<!tpu.dma_semaphore, #tpu.memory_space<semaphore_mem>>)
    %dma_start3A_14 = arith.constant 0 : i32
    %dma_start3A_15 = arith.constant 0 : i32
    %dma_start3A_16 = tpu.memref_slice %arg8[%dma_start3A_14, %dma_start3A_15] : memref<32x512xf32, #tpu.memory_space<vmem>> -> memref<16x512xf32, #tpu.memory_space<vmem>>
    %dma_start3A_17 = arith.constant 0 : i32
    %dma_start3A_18 = tpu.memref_slice %arg3[%add3A_4, %dma_start3A_17] : memref<6144x512xf32, #tpu.memory_space<hbm>> -> memref<16x512xf32, #tpu.memory_space<hbm>>
    %dma_start3A_19 = arith.constant 0 : i32
    %dma_start3A_20 = arith.constant 0 : i32
    %dma_start3A_21 = tpu.memref_slice %arg8[%dma_start3A_19, %dma_start3A_20] : memref<32x512xf32, #tpu.memory_space<vmem>> -> memref<16x512xf32, #tpu.memory_space<vmem>>
    %dma_start3A_22 = arith.constant 0 : i32
    %dma_start3A_23 = tpu.memref_slice %arg3[%add3A_4, %dma_start3A_22] : memref<6144x512xf32, #tpu.memory_space<hbm>> -> memref<16x512xf32, #tpu.memory_space<hbm>>
    tpu.enqueue_dma source(%dma_start3A_23 : memref<16x512xf32, #tpu.memory_space<hbm>>) target(%dma_start3A_21 : memref<16x512xf32, #tpu.memory_space<vmem>>) target_semaphore(%arg12 : memref<!tpu.dma_semaphore, #tpu.memory_space<semaphore_mem>>)
    %dma_start3A_24 = arith.constant 0 : i32
    %dma_start3A_25 = arith.constant 0 : i32
    %dma_start3A_26 = tpu.memref_slice %arg9[%dma_start3A_24, %dma_start3A_25] : memref<32x512xi32, #tpu.memory_space<vmem>> -> memref<16x512xi32, #tpu.memory_space<vmem>>
    %dma_start3A_27 = arith.constant 0 : i32
    %dma_start3A_28 = tpu.memref_slice %arg4[%add3A_4, %dma_start3A_27] : memref<6144x512xi32, #tpu.memory_space<hbm>> -> memref<16x512xi32, #tpu.memory_space<hbm>>
    %dma_start3A_29 = arith.constant 0 : i32
    %dma_start3A_30 = arith.constant 0 : i32
    %dma_start3A_31 = tpu.memref_slice %arg9[%dma_start3A_29, %dma_start3A_30] : memref<32x512xi32, #tpu.memory_space<vmem>> -> memref<16x512xi32, #tpu.memory_space<vmem>>
    %dma_start3A_32 = arith.constant 0 : i32
    %dma_start3A_33 = tpu.memref_slice %arg4[%add3A_4, %dma_start3A_32] : memref<6144x512xi32, #tpu.memory_space<hbm>> -> memref<16x512xi32, #tpu.memory_space<hbm>>
    tpu.enqueue_dma source(%dma_start3A_33 : memref<16x512xi32, #tpu.memory_space<hbm>>) target(%dma_start3A_31 : memref<16x512xi32, #tpu.memory_space<vmem>>) target_semaphore(%arg12 : memref<!tpu.dma_semaphore, #tpu.memory_space<semaphore_mem>>)
    %broadcast_in_dim3A = arith.constant 0.000000e+00 : f32
    %broadcast_in_dim3A_34 = vector.broadcast %broadcast_in_dim3A : f32 to vector<16xf32>
    %scan3A = arith.constant 0 : i32
    %scan3A_35 = arith.constant 0 : i32
    %scan3A_36 = arith.constant 16 : i32
    %scan3A_37 = arith.addi %scan3A_35, %scan3A_36 : i32
    %scan3A_38 = arith.constant 1 : i32
    %scan3A_39 = scf.for %scan3A_54 = %scan3A_35 to %scan3A_37 step %scan3A_38 iter_args(%scan3A_55 = %scan3A) -> (i32)  : i32 {
      %scan3A_56 = arith.constant 0 : i32
      %scan3A_57 = arith.constant 0 : i32
      %scan3A_58 = arith.constant 8 : i32
      %scan3A_59 = arith.addi %scan3A_57, %scan3A_58 : i32
      %scan3A_60 = arith.constant 1 : i32
      %scan3A_61 = scf.for %scan3A_64 = %scan3A_57 to %scan3A_59 step %scan3A_60 iter_args(%scan3A_65 = %scan3A_56) -> (i32)  : i32 {
        %mul3A_66 = arith.constant 16 : i32
        %mul3A_67 = arith.muli %scan3A_64, %mul3A_66 : i32
        %swap3A = arith.index_cast %scan3A_54 : i32 to index
        %swap3A_68 = arith.index_cast %mul3A_67 : i32 to index
        %swap3A_69 = tpu.vector_load %arg10[%swap3A, %swap3A_68] {strides = array<i32>} : memref<16x128xf32, #tpu.memory_space<vmem>>, vector<16xf32>,
        tpu.vector_store %arg10[%swap3A, %swap3A_68], %broadcast_in_dim3A_34 {strides = array<i32>} : memref<16x128xf32, #tpu.memory_space<vmem>>, vector<16xf32>,
        %mul3A_70 = arith.constant 16 : i32
        %mul3A_71 = arith.muli %scan3A_64, %mul3A_70 : i32
        %swap3A_72 = arith.index_cast %scan3A_54 : i32 to index
        %swap3A_73 = arith.index_cast %mul3A_71 : i32 to index
        %swap3A_74 = tpu.vector_load %arg11[%swap3A_72, %swap3A_73] {strides = array<i32>} : memref<16x128xf32, #tpu.memory_space<vmem>>, vector<16xf32>,
        tpu.vector_store %arg11[%swap3A_72, %swap3A_73], %broadcast_in_dim3A_34 {strides = array<i32>} : memref<16x128xf32, #tpu.memory_space<vmem>>, vector<16xf32>,
        %scan3A_75 = arith.constant 0 : i32
        scf.yield %scan3A_75 : i32
      }
      %scan3A_62 = arith.constant 8 : i32
      %scan3A_63 = arith.constant 0 : i32
      scf.yield %scan3A_63 : i32
    }
    %scan3A_40 = arith.constant 16 : i32
    %iota3A = tpu.iota {dimensions = array<i32: 0>} : vector<16xi32>
    %broadcast_in_dim3A_41 = arith.constant 1.000000e+00 : f32
    %broadcast_in_dim3A_42 = vector.broadcast %broadcast_in_dim3A_41 : f32 to vector<16xf32>
    %scan3A_43 = arith.constant 0 : i32
    %scan3A_44 = arith.constant 0 : i32
    %scan3A_45 = arith.constant 12 : i32
    %scan3A_46 = arith.addi %scan3A_44, %scan3A_45 : i32
    %scan3A_47 = arith.constant 1 : i32
    %scan3A_48 = scf.for %scan3A_54 = %scan3A_44 to %scan3A_46 step %scan3A_47 iter_args(%scan3A_55 = %scan3A_43) -> (i32)  : i32 {
      %rem3A = arith.constant 2 : i32
      %rem3A_56 = arith.remsi %scan3A_54, %rem3A : i32
      %add3A_57 = arith.constant 1 : i32
      %add3A_58 = arith.addi %scan3A_54, %add3A_57 : i32
      %lt3A = arith.constant 12 : i32
      %lt3A_59 = arith.cmpi slt, %add3A_58, %lt3A : i32
      %eq3A = arith.constant 0 : i32
      %eq3A_60 = arith.cmpi eq, %rem3A_56, %eq3A : i32
      %and3A = arith.andi %lt3A_59, %eq3A_60 : i1
      %convert_element_type3A = arith.extui %and3A : i1 to i32
      %cond3A = arith.constant 0 : i32
      %cond3A_61 = arith.cmpi ne, %convert_element_type3A, %cond3A : i32
      scf.if %cond3A_61 {
        %add3A_87 = arith.constant 1 : i32
        %add3A_88 = arith.addi %scan3A_54, %add3A_87 : i32
        %mul3A_89 = arith.constant 16 : i32
        %mul3A_90 = arith.muli %add3A_88, %mul3A_89 : i32
        %add3A_91 = arith.addi %mul3A_2, %mul3A_90 : i32
        %dma_start3A_92 = arith.constant 16 : i32
        %dma_start3A_93 = arith.constant 0 : i32
        %dma_start3A_94 = tpu.memref_slice %arg7[%dma_start3A_92, %dma_start3A_93] : memref<32x512xf32, #tpu.memory_space<vmem>> -> memref<16x512xf32, #tpu.memory_space<vmem>>
        %dma_start3A_95 = arith.constant 0 : i32
        %dma_start3A_96 = tpu.memref_slice %arg2[%add3A_91, %dma_start3A_95] : memref<6144x512xf32, #tpu.memory_space<hbm>> -> memref<16x512xf32, #tpu.memory_space<hbm>>
        %dma_start3A_97 = arith.constant 16 : i32
        %dma_start3A_98 = arith.constant 0 : i32
        %dma_start3A_99 = tpu.memref_slice %arg7[%dma_start3A_97, %dma_start3A_98] : memref<32x512xf32, #tpu.memory_space<vmem>> -> memref<16x512xf32, #tpu.memory_space<vmem>>
        %dma_start3A_100 = arith.constant 0 : i32
        %dma_start3A_101 = tpu.memref_slice %arg2[%add3A_91, %dma_start3A_100] : memref<6144x512xf32, #tpu.memory_space<hbm>> -> memref<16x512xf32, #tpu.memory_space<hbm>>
        tpu.enqueue_dma source(%dma_start3A_101 : memref<16x512xf32, #tpu.memory_space<hbm>>) target(%dma_start3A_99 : memref<16x512xf32, #tpu.memory_space<vmem>>) target_semaphore(%arg13 : memref<!tpu.dma_semaphore, #tpu.memory_space<semaphore_mem>>)
        %dma_start3A_102 = arith.constant 16 : i32
        %dma_start3A_103 = arith.constant 0 : i32
        %dma_start3A_104 = tpu.memref_slice %arg8[%dma_start3A_102, %dma_start3A_103] : memref<32x512xf32, #tpu.memory_space<vmem>> -> memref<16x512xf32, #tpu.memory_space<vmem>>
        %dma_start3A_105 = arith.constant 0 : i32
        %dma_start3A_106 = tpu.memref_slice %arg3[%add3A_91, %dma_start3A_105] : memref<6144x512xf32, #tpu.memory_space<hbm>> -> memref<16x512xf32, #tpu.memory_space<hbm>>
        %dma_start3A_107 = arith.constant 16 : i32
        %dma_start3A_108 = arith.constant 0 : i32
        %dma_start3A_109 = tpu.memref_slice %arg8[%dma_start3A_107, %dma_start3A_108] : memref<32x512xf32, #tpu.memory_space<vmem>> -> memref<16x512xf32, #tpu.memory_space<vmem>>
        %dma_start3A_110 = arith.constant 0 : i32
        %dma_start3A_111 = tpu.memref_slice %arg3[%add3A_91, %dma_start3A_110] : memref<6144x512xf32, #tpu.memory_space<hbm>> -> memref<16x512xf32, #tpu.memory_space<hbm>>
        tpu.enqueue_dma source(%dma_start3A_111 : memref<16x512xf32, #tpu.memory_space<hbm>>) target(%dma_start3A_109 : memref<16x512xf32, #tpu.memory_space<vmem>>) target_semaphore(%arg13 : memref<!tpu.dma_semaphore, #tpu.memory_space<semaphore_mem>>)
        %dma_start3A_112 = arith.constant 16 : i32
        %dma_start3A_113 = arith.constant 0 : i32
        %dma_start3A_114 = tpu.memref_slice %arg9[%dma_start3A_112, %dma_start3A_113] : memref<32x512xi32, #tpu.memory_space<vmem>> -> memref<16x512xi32, #tpu.memory_space<vmem>>
        %dma_start3A_115 = arith.constant 0 : i32
        %dma_start3A_116 = tpu.memref_slice %arg4[%add3A_91, %dma_start3A_115] : memref<6144x512xi32, #tpu.memory_space<hbm>> -> memref<16x512xi32, #tpu.memory_space<hbm>>
        %dma_start3A_117 = arith.constant 16 : i32
        %dma_start3A_118 = arith.constant 0 : i32
        %dma_start3A_119 = tpu.memref_slice %arg9[%dma_start3A_117, %dma_start3A_118] : memref<32x512xi32, #tpu.memory_space<vmem>> -> memref<16x512xi32, #tpu.memory_space<vmem>>
        %dma_start3A_120 = arith.constant 0 : i32
        %dma_start3A_121 = tpu.memref_slice %arg4[%add3A_91, %dma_start3A_120] : memref<6144x512xi32, #tpu.memory_space<hbm>> -> memref<16x512xi32, #tpu.memory_space<hbm>>
        tpu.enqueue_dma source(%dma_start3A_121 : memref<16x512xi32, #tpu.memory_space<hbm>>) target(%dma_start3A_119 : memref<16x512xi32, #tpu.memory_space<vmem>>) target_semaphore(%arg13 : memref<!tpu.dma_semaphore, #tpu.memory_space<semaphore_mem>>)
      } else {
      }
      %add3A_62 = arith.constant 1 : i32
      %add3A_63 = arith.addi %scan3A_54, %add3A_62 : i32
      %lt3A_64 = arith.constant 12 : i32
      %lt3A_65 = arith.cmpi slt, %add3A_63, %lt3A_64 : i32
      %eq3A_66 = arith.constant 1 : i32
      %eq3A_67 = arith.cmpi eq, %rem3A_56, %eq3A_66 : i32
      %and3A_68 = arith.andi %lt3A_65, %eq3A_67 : i1
      %convert_element_type3A_69 = arith.extui %and3A_68 : i1 to i32
      %cond3A_70 = arith.constant 0 : i32
      %cond3A_71 = arith.cmpi ne, %convert_element_type3A_69, %cond3A_70 : i32
      scf.if %cond3A_71 {
        %add3A_87 = arith.constant 1 : i32
        %add3A_88 = arith.addi %scan3A_54, %add3A_87 : i32
        %mul3A_89 = arith.constant 16 : i32
        %mul3A_90 = arith.muli %add3A_88, %mul3A_89 : i32
        %add3A_91 = arith.addi %mul3A_2, %mul3A_90 : i32
        %dma_start3A_92 = arith.constant 0 : i32
        %dma_start3A_93 = arith.constant 0 : i32
        %dma_start3A_94 = tpu.memref_slice %arg7[%dma_start3A_92, %dma_start3A_93] : memref<32x512xf32, #tpu.memory_space<vmem>> -> memref<16x512xf32, #tpu.memory_space<vmem>>
        %dma_start3A_95 = arith.constant 0 : i32
        %dma_start3A_96 = tpu.memref_slice %arg2[%add3A_91, %dma_start3A_95] : memref<6144x512xf32, #tpu.memory_space<hbm>> -> memref<16x512xf32, #tpu.memory_space<hbm>>
        %dma_start3A_97 = arith.constant 0 : i32
        %dma_start3A_98 = arith.constant 0 : i32
        %dma_start3A_99 = tpu.memref_slice %arg7[%dma_start3A_97, %dma_start3A_98] : memref<32x512xf32, #tpu.memory_space<vmem>> -> memref<16x512xf32, #tpu.memory_space<vmem>>
        %dma_start3A_100 = arith.constant 0 : i32
        %dma_start3A_101 = tpu.memref_slice %arg2[%add3A_91, %dma_start3A_100] : memref<6144x512xf32, #tpu.memory_space<hbm>> -> memref<16x512xf32, #tpu.memory_space<hbm>>
        tpu.enqueue_dma source(%dma_start3A_101 : memref<16x512xf32, #tpu.memory_space<hbm>>) target(%dma_start3A_99 : memref<16x512xf32, #tpu.memory_space<vmem>>) target_semaphore(%arg12 : memref<!tpu.dma_semaphore, #tpu.memory_space<semaphore_mem>>)
        %dma_start3A_102 = arith.constant 0 : i32
        %dma_start3A_103 = arith.constant 0 : i32
        %dma_start3A_104 = tpu.memref_slice %arg8[%dma_start3A_102, %dma_start3A_103] : memref<32x512xf32, #tpu.memory_space<vmem>> -> memref<16x512xf32, #tpu.memory_space<vmem>>
        %dma_start3A_105 = arith.constant 0 : i32
        %dma_start3A_106 = tpu.memref_slice %arg3[%add3A_91, %dma_start3A_105] : memref<6144x512xf32, #tpu.memory_space<hbm>> -> memref<16x512xf32, #tpu.memory_space<hbm>>
        %dma_start3A_107 = arith.constant 0 : i32
        %dma_start3A_108 = arith.constant 0 : i32
        %dma_start3A_109 = tpu.memref_slice %arg8[%dma_start3A_107, %dma_start3A_108] : memref<32x512xf32, #tpu.memory_space<vmem>> -> memref<16x512xf32, #tpu.memory_space<vmem>>
        %dma_start3A_110 = arith.constant 0 : i32
        %dma_start3A_111 = tpu.memref_slice %arg3[%add3A_91, %dma_start3A_110] : memref<6144x512xf32, #tpu.memory_space<hbm>> -> memref<16x512xf32, #tpu.memory_space<hbm>>
        tpu.enqueue_dma source(%dma_start3A_111 : memref<16x512xf32, #tpu.memory_space<hbm>>) target(%dma_start3A_109 : memref<16x512xf32, #tpu.memory_space<vmem>>) target_semaphore(%arg12 : memref<!tpu.dma_semaphore, #tpu.memory_space<semaphore_mem>>)
        %dma_start3A_112 = arith.constant 0 : i32
        %dma_start3A_113 = arith.constant 0 : i32
        %dma_start3A_114 = tpu.memref_slice %arg9[%dma_start3A_112, %dma_start3A_113] : memref<32x512xi32, #tpu.memory_space<vmem>> -> memref<16x512xi32, #tpu.memory_space<vmem>>
        %dma_start3A_115 = arith.constant 0 : i32
        %dma_start3A_116 = tpu.memref_slice %arg4[%add3A_91, %dma_start3A_115] : memref<6144x512xi32, #tpu.memory_space<hbm>> -> memref<16x512xi32, #tpu.memory_space<hbm>>
        %dma_start3A_117 = arith.constant 0 : i32
        %dma_start3A_118 = arith.constant 0 : i32
        %dma_start3A_119 = tpu.memref_slice %arg9[%dma_start3A_117, %dma_start3A_118] : memref<32x512xi32, #tpu.memory_space<vmem>> -> memref<16x512xi32, #tpu.memory_space<vmem>>
        %dma_start3A_120 = arith.constant 0 : i32
        %dma_start3A_121 = tpu.memref_slice %arg4[%add3A_91, %dma_start3A_120] : memref<6144x512xi32, #tpu.memory_space<hbm>> -> memref<16x512xi32, #tpu.memory_space<hbm>>
        tpu.enqueue_dma source(%dma_start3A_121 : memref<16x512xi32, #tpu.memory_space<hbm>>) target(%dma_start3A_119 : memref<16x512xi32, #tpu.memory_space<vmem>>) target_semaphore(%arg12 : memref<!tpu.dma_semaphore, #tpu.memory_space<semaphore_mem>>)
      } else {
      }
      %eq3A_72 = arith.constant 0 : i32
      %eq3A_73 = arith.cmpi eq, %rem3A_56, %eq3A_72 : i32
      %convert_element_type3A_74 = arith.extui %eq3A_73 : i1 to i32
      %cond3A_75 = arith.constant 0 : i32
      %cond3A_76 = arith.cmpi ne, %convert_element_type3A_74, %cond3A_75 : i32
      scf.if %cond3A_76 {
        %mul3A_87 = arith.constant 16 : i32
        %mul3A_88 = arith.muli %scan3A_54, %mul3A_87 : i32
        %add3A_89 = arith.addi %mul3A_2, %mul3A_88 : i32
        %dma_wait3A = arith.constant 0 : i32
        %dma_wait3A_90 = arith.constant 0 : i32
        %dma_wait3A_91 = tpu.memref_slice %arg7[%dma_wait3A, %dma_wait3A_90] : memref<32x512xf32, #tpu.memory_space<vmem>> -> memref<16x512xf32, #tpu.memory_space<vmem>>
        %dma_wait3A_92 = arith.constant 0 : i32
        %dma_wait3A_93 = tpu.memref_slice %arg2[%add3A_89, %dma_wait3A_92] : memref<6144x512xf32, #tpu.memory_space<hbm>> -> memref<16x512xf32, #tpu.memory_space<hbm>>
        %dma_wait3A_94 = arith.constant 0 : i32
        %dma_wait3A_95 = arith.constant 0 : i32
        %dma_wait3A_96 = tpu.memref_slice %arg7[%dma_wait3A_94, %dma_wait3A_95] : memref<32x512xf32, #tpu.memory_space<vmem>> -> memref<16x512xf32, #tpu.memory_space<vmem>>
        %dma_wait3A_97 = arith.constant 0 : i32
        %dma_wait3A_98 = tpu.memref_slice %arg2[%add3A_89, %dma_wait3A_97] : memref<6144x512xf32, #tpu.memory_space<hbm>> -> memref<16x512xf32, #tpu.memory_space<hbm>>
        tpu.wait_dma2 semaphore(%arg12 : memref<!tpu.dma_semaphore, #tpu.memory_space<semaphore_mem>>) src(%dma_wait3A_98 : memref<16x512xf32, #tpu.memory_space<hbm>>) dst(%dma_wait3A_96 : memref<16x512xf32, #tpu.memory_space<vmem>>)
        %dma_wait3A_99 = arith.constant 0 : i32
        %dma_wait3A_100 = arith.constant 0 : i32
        %dma_wait3A_101 = tpu.memref_slice %arg8[%dma_wait3A_99, %dma_wait3A_100] : memref<32x512xf32, #tpu.memory_space<vmem>> -> memref<16x512xf32, #tpu.memory_space<vmem>>
        %dma_wait3A_102 = arith.constant 0 : i32
        %dma_wait3A_103 = tpu.memref_slice %arg3[%add3A_89, %dma_wait3A_102] : memref<6144x512xf32, #tpu.memory_space<hbm>> -> memref<16x512xf32, #tpu.memory_space<hbm>>
        %dma_wait3A_104 = arith.constant 0 : i32
        %dma_wait3A_105 = arith.constant 0 : i32
        %dma_wait3A_106 = tpu.memref_slice %arg8[%dma_wait3A_104, %dma_wait3A_105] : memref<32x512xf32, #tpu.memory_space<vmem>> -> memref<16x512xf32, #tpu.memory_space<vmem>>
        %dma_wait3A_107 = arith.constant 0 : i32
        %dma_wait3A_108 = tpu.memref_slice %arg3[%add3A_89, %dma_wait3A_107] : memref<6144x512xf32, #tpu.memory_space<hbm>> -> memref<16x512xf32, #tpu.memory_space<hbm>>
        tpu.wait_dma2 semaphore(%arg12 : memref<!tpu.dma_semaphore, #tpu.memory_space<semaphore_mem>>) src(%dma_wait3A_108 : memref<16x512xf32, #tpu.memory_space<hbm>>) dst(%dma_wait3A_106 : memref<16x512xf32, #tpu.memory_space<vmem>>)
        %dma_wait3A_109 = arith.constant 0 : i32
        %dma_wait3A_110 = arith.constant 0 : i32
        %dma_wait3A_111 = tpu.memref_slice %arg9[%dma_wait3A_109, %dma_wait3A_110] : memref<32x512xi32, #tpu.memory_space<vmem>> -> memref<16x512xi32, #tpu.memory_space<vmem>>
        %dma_wait3A_112 = arith.constant 0 : i32
        %dma_wait3A_113 = tpu.memref_slice %arg4[%add3A_89, %dma_wait3A_112] : memref<6144x512xi32, #tpu.memory_space<hbm>> -> memref<16x512xi32, #tpu.memory_space<hbm>>
        %dma_wait3A_114 = arith.constant 0 : i32
        %dma_wait3A_115 = arith.constant 0 : i32
        %dma_wait3A_116 = tpu.memref_slice %arg9[%dma_wait3A_114, %dma_wait3A_115] : memref<32x512xi32, #tpu.memory_space<vmem>> -> memref<16x512xi32, #tpu.memory_space<vmem>>
        %dma_wait3A_117 = arith.constant 0 : i32
        %dma_wait3A_118 = tpu.memref_slice %arg4[%add3A_89, %dma_wait3A_117] : memref<6144x512xi32, #tpu.memory_space<hbm>> -> memref<16x512xi32, #tpu.memory_space<hbm>>
        tpu.wait_dma2 semaphore(%arg12 : memref<!tpu.dma_semaphore, #tpu.memory_space<semaphore_mem>>) src(%dma_wait3A_118 : memref<16x512xi32, #tpu.memory_space<hbm>>) dst(%dma_wait3A_116 : memref<16x512xi32, #tpu.memory_space<vmem>>)
      } else {
      }
      %eq3A_77 = arith.constant 1 : i32
      %eq3A_78 = arith.cmpi eq, %rem3A_56, %eq3A_77 : i32
      %convert_element_type3A_79 = arith.extui %eq3A_78 : i1 to i32
      %cond3A_80 = arith.constant 0 : i32
      %cond3A_81 = arith.cmpi ne, %convert_element_type3A_79, %cond3A_80 : i32
      scf.if %cond3A_81 {
        %mul3A_87 = arith.constant 16 : i32
        %mul3A_88 = arith.muli %scan3A_54, %mul3A_87 : i32
        %add3A_89 = arith.addi %mul3A_2, %mul3A_88 : i32
        %dma_wait3A = arith.constant 16 : i32
        %dma_wait3A_90 = arith.constant 0 : i32
        %dma_wait3A_91 = tpu.memref_slice %arg7[%dma_wait3A, %dma_wait3A_90] : memref<32x512xf32, #tpu.memory_space<vmem>> -> memref<16x512xf32, #tpu.memory_space<vmem>>
        %dma_wait3A_92 = arith.constant 0 : i32
        %dma_wait3A_93 = tpu.memref_slice %arg2[%add3A_89, %dma_wait3A_92] : memref<6144x512xf32, #tpu.memory_space<hbm>> -> memref<16x512xf32, #tpu.memory_space<hbm>>
        %dma_wait3A_94 = arith.constant 16 : i32
        %dma_wait3A_95 = arith.constant 0 : i32
        %dma_wait3A_96 = tpu.memref_slice %arg7[%dma_wait3A_94, %dma_wait3A_95] : memref<32x512xf32, #tpu.memory_space<vmem>> -> memref<16x512xf32, #tpu.memory_space<vmem>>
        %dma_wait3A_97 = arith.constant 0 : i32
        %dma_wait3A_98 = tpu.memref_slice %arg2[%add3A_89, %dma_wait3A_97] : memref<6144x512xf32, #tpu.memory_space<hbm>> -> memref<16x512xf32, #tpu.memory_space<hbm>>
        tpu.wait_dma2 semaphore(%arg13 : memref<!tpu.dma_semaphore, #tpu.memory_space<semaphore_mem>>) src(%dma_wait3A_98 : memref<16x512xf32, #tpu.memory_space<hbm>>) dst(%dma_wait3A_96 : memref<16x512xf32, #tpu.memory_space<vmem>>)
        %dma_wait3A_99 = arith.constant 16 : i32
        %dma_wait3A_100 = arith.constant 0 : i32
        %dma_wait3A_101 = tpu.memref_slice %arg8[%dma_wait3A_99, %dma_wait3A_100] : memref<32x512xf32, #tpu.memory_space<vmem>> -> memref<16x512xf32, #tpu.memory_space<vmem>>
        %dma_wait3A_102 = arith.constant 0 : i32
        %dma_wait3A_103 = tpu.memref_slice %arg3[%add3A_89, %dma_wait3A_102] : memref<6144x512xf32, #tpu.memory_space<hbm>> -> memref<16x512xf32, #tpu.memory_space<hbm>>
        %dma_wait3A_104 = arith.constant 16 : i32
        %dma_wait3A_105 = arith.constant 0 : i32
        %dma_wait3A_106 = tpu.memref_slice %arg8[%dma_wait3A_104, %dma_wait3A_105] : memref<32x512xf32, #tpu.memory_space<vmem>> -> memref<16x512xf32, #tpu.memory_space<vmem>>
        %dma_wait3A_107 = arith.constant 0 : i32
        %dma_wait3A_108 = tpu.memref_slice %arg3[%add3A_89, %dma_wait3A_107] : memref<6144x512xf32, #tpu.memory_space<hbm>> -> memref<16x512xf32, #tpu.memory_space<hbm>>
        tpu.wait_dma2 semaphore(%arg13 : memref<!tpu.dma_semaphore, #tpu.memory_space<semaphore_mem>>) src(%dma_wait3A_108 : memref<16x512xf32, #tpu.memory_space<hbm>>) dst(%dma_wait3A_106 : memref<16x512xf32, #tpu.memory_space<vmem>>)
        %dma_wait3A_109 = arith.constant 16 : i32
        %dma_wait3A_110 = arith.constant 0 : i32
        %dma_wait3A_111 = tpu.memref_slice %arg9[%dma_wait3A_109, %dma_wait3A_110] : memref<32x512xi32, #tpu.memory_space<vmem>> -> memref<16x512xi32, #tpu.memory_space<vmem>>
        %dma_wait3A_112 = arith.constant 0 : i32
        %dma_wait3A_113 = tpu.memref_slice %arg4[%add3A_89, %dma_wait3A_112] : memref<6144x512xi32, #tpu.memory_space<hbm>> -> memref<16x512xi32, #tpu.memory_space<hbm>>
        %dma_wait3A_114 = arith.constant 16 : i32
        %dma_wait3A_115 = arith.constant 0 : i32
        %dma_wait3A_116 = tpu.memref_slice %arg9[%dma_wait3A_114, %dma_wait3A_115] : memref<32x512xi32, #tpu.memory_space<vmem>> -> memref<16x512xi32, #tpu.memory_space<vmem>>
        %dma_wait3A_117 = arith.constant 0 : i32
        %dma_wait3A_118 = tpu.memref_slice %arg4[%add3A_89, %dma_wait3A_117] : memref<6144x512xi32, #tpu.memory_space<hbm>> -> memref<16x512xi32, #tpu.memory_space<hbm>>
        tpu.wait_dma2 semaphore(%arg13 : memref<!tpu.dma_semaphore, #tpu.memory_space<semaphore_mem>>) src(%dma_wait3A_118 : memref<16x512xi32, #tpu.memory_space<hbm>>) dst(%dma_wait3A_116 : memref<16x512xi32, #tpu.memory_space<vmem>>)
      } else {
      }
      %mul3A_82 = arith.constant 16 : i32
      %mul3A_83 = arith.muli %rem3A_56, %mul3A_82 : i32
      %parallel_loop3A = arith.constant 0 : i32
      %parallel_loop3A_84 = arith.constant 512 : i32
      %parallel_loop3A_85 = arith.constant 1 : i32
      scf.for %parallel_loop3A_87 = %parallel_loop3A to %parallel_loop3A_84 step %parallel_loop3A_85  : i32 {
        %parallel_loop3A_88 = arith.constant 32 : i32
        %parallel_loop3A_89 = arith.divsi %parallel_loop3A_87, %parallel_loop3A_88 : i32
        %parallel_loop3A_90 = arith.constant 0 : i32
        %parallel_loop3A_91 = arith.cmpi sgt, %parallel_loop3A_87, %parallel_loop3A_90 : i32
        %parallel_loop3A_92 = arith.extui %parallel_loop3A_91 : i1 to i32
        %parallel_loop3A_93 = arith.constant 0 : i32
        %parallel_loop3A_94 = arith.cmpi slt, %parallel_loop3A_87, %parallel_loop3A_93 : i32
        %parallel_loop3A_95 = arith.extui %parallel_loop3A_94 : i1 to i32
        %parallel_loop3A_96 = arith.subi %parallel_loop3A_92, %parallel_loop3A_95 : i32
        %parallel_loop3A_97 = arith.constant 0 : i32
        %parallel_loop3A_98 = arith.cmpi sgt, %parallel_loop3A_88, %parallel_loop3A_97 : i32
        %parallel_loop3A_99 = arith.extui %parallel_loop3A_98 : i1 to i32
        %parallel_loop3A_100 = arith.constant 0 : i32
        %parallel_loop3A_101 = arith.cmpi slt, %parallel_loop3A_88, %parallel_loop3A_100 : i32
        %parallel_loop3A_102 = arith.extui %parallel_loop3A_101 : i1 to i32
        %parallel_loop3A_103 = arith.subi %parallel_loop3A_99, %parallel_loop3A_102 : i32
        %parallel_loop3A_104 = arith.cmpi ne, %parallel_loop3A_96, %parallel_loop3A_103 : i32
        %parallel_loop3A_105 = arith.remsi %parallel_loop3A_87, %parallel_loop3A_88 : i32
        %parallel_loop3A_106 = arith.constant 0 : i32
        %parallel_loop3A_107 = arith.cmpi ne, %parallel_loop3A_105, %parallel_loop3A_106 : i32
        %parallel_loop3A_108 = arith.andi %parallel_loop3A_104, %parallel_loop3A_107 : i1
        %parallel_loop3A_109 = arith.constant 1 : i32
        %parallel_loop3A_110 = arith.subi %parallel_loop3A_89, %parallel_loop3A_109 : i32
        %parallel_loop3A_111 = arith.select %parallel_loop3A_108, %parallel_loop3A_110, %parallel_loop3A_89 : i32
        %parallel_loop3A_112 = arith.addi %mul3A_83, %parallel_loop3A_111 : i32
        %parallel_loop3A_113 = arith.constant 32 : i32
        %parallel_loop3A_114 = arith.constant 0 : i32
        %parallel_loop3A_115 = arith.cmpi eq, %parallel_loop3A_113, %parallel_loop3A_114 : i32
        %parallel_loop3A_116 = arith.constant 1 : i32
        %parallel_loop3A_117 = arith.select %parallel_loop3A_115, %parallel_loop3A_116, %parallel_loop3A_113 : i32
        %parallel_loop3A_118 = arith.remsi %parallel_loop3A_87, %parallel_loop3A_117 : i32
        %parallel_loop3A_119 = arith.constant 0 : i32
        %parallel_loop3A_120 = arith.cmpi ne, %parallel_loop3A_118, %parallel_loop3A_119 : i32
        %parallel_loop3A_121 = arith.constant 0 : i32
        %parallel_loop3A_122 = arith.cmpi slt, %parallel_loop3A_118, %parallel_loop3A_121 : i32
        %parallel_loop3A_123 = arith.constant 0 : i32
        %parallel_loop3A_124 = arith.cmpi slt, %parallel_loop3A_117, %parallel_loop3A_123 : i32
        %parallel_loop3A_125 = arith.xori %parallel_loop3A_122, %parallel_loop3A_124 : i1
        %parallel_loop3A_126 = arith.andi %parallel_loop3A_125, %parallel_loop3A_120 : i1
        %parallel_loop3A_127 = arith.addi %parallel_loop3A_118, %parallel_loop3A_117 : i32
        %parallel_loop3A_128 = arith.select %parallel_loop3A_126, %parallel_loop3A_127, %parallel_loop3A_118 : i32
        %parallel_loop3A_129 = arith.constant 16 : i32
        %parallel_loop3A_130 = arith.muli %parallel_loop3A_128, %parallel_loop3A_129 : i32
        %parallel_loop3A_131 = arith.index_cast %parallel_loop3A_112 : i32 to index
        %parallel_loop3A_132 = arith.index_cast %parallel_loop3A_130 : i32 to index
        %parallel_loop3A_133 = tpu.vector_load %arg7[%parallel_loop3A_131, %parallel_loop3A_132] {strides = array<i32>} : memref<32x512xf32, #tpu.memory_space<vmem>>, vector<16xf32>,
        %parallel_loop3A_134 = arith.index_cast %parallel_loop3A_112 : i32 to index
        %parallel_loop3A_135 = arith.index_cast %parallel_loop3A_130 : i32 to index
        %parallel_loop3A_136 = tpu.vector_load %arg8[%parallel_loop3A_134, %parallel_loop3A_135] {strides = array<i32>} : memref<32x512xf32, #tpu.memory_space<vmem>>, vector<16xf32>,
        %parallel_loop3A_137 = arith.index_cast %parallel_loop3A_112 : i32 to index
        %parallel_loop3A_138 = arith.index_cast %parallel_loop3A_130 : i32 to index
        %parallel_loop3A_139 = tpu.vector_load %arg9[%parallel_loop3A_137, %parallel_loop3A_138] {strides = array<i32>} : memref<32x512xi32, #tpu.memory_space<vmem>>, vector<16xi32>,
        %parallel_loop3A_140 = arith.subf %parallel_loop3A_133, %parallel_loop3A_136 : vector<16xf32>
        %parallel_loop3A_141 = math.absf %parallel_loop3A_140 : vector<16xf32>
        tpu.vector_store_idx %arg10[%iota3A, %parallel_loop3A_139], %parallel_loop3A_141 {add = true} : memref<16x128xf32, #tpu.memory_space<vmem>>[vector<16xi32>, vector<16xi32>], vector<16xf32>,
        tpu.vector_store_idx %arg11[%iota3A, %parallel_loop3A_139], %broadcast_in_dim3A_42 {add = true} : memref<16x128xf32, #tpu.memory_space<vmem>>[vector<16xi32>, vector<16xi32>], vector<16xf32>,
      } {sc.loop_unroll_factor = 8 : i64, sc.parallel_access}
      %scan3A_86 = arith.constant 0 : i32
      scf.yield %scan3A_86 : i32
    }
    %scan3A_49 = arith.constant 12 : i32
    %mul3A_50 = arith.constant 16 : i32
    %mul3A_51 = arith.muli %add3A, %mul3A_50 : i32
    "tpu.region"() ({
      %run_scoped3A = tpu.sem_alloc : memref<!tpu.dma_semaphore, #tpu.memory_space<semaphore_mem>>
      %dma_start3A_54 = arith.constant 0 : i32
      %dma_start3A_55 = tpu.memref_slice %arg5[%mul3A_51, %dma_start3A_54] : memref<512x128xf32, #tpu.memory_space<hbm>> -> memref<16x128xf32, #tpu.memory_space<hbm>>
      %dma_start3A_56 = arith.constant 0 : i32
      %dma_start3A_57 = tpu.memref_slice %arg5[%mul3A_51, %dma_start3A_56] : memref<512x128xf32, #tpu.memory_space<hbm>> -> memref<16x128xf32, #tpu.memory_space<hbm>>
      tpu.enqueue_dma source(%arg10 : memref<16x128xf32, #tpu.memory_space<vmem>>) target(%dma_start3A_57 : memref<16x128xf32, #tpu.memory_space<hbm>>) target_semaphore(%run_scoped3A : memref<!tpu.dma_semaphore, #tpu.memory_space<semaphore_mem>>)
      %dma_wait3A = arith.constant 0 : i32
      %dma_wait3A_58 = tpu.memref_slice %arg5[%mul3A_51, %dma_wait3A] : memref<512x128xf32, #tpu.memory_space<hbm>> -> memref<16x128xf32, #tpu.memory_space<hbm>>
      %dma_wait3A_59 = arith.constant 0 : i32
      %dma_wait3A_60 = tpu.memref_slice %arg5[%mul3A_51, %dma_wait3A_59] : memref<512x128xf32, #tpu.memory_space<hbm>> -> memref<16x128xf32, #tpu.memory_space<hbm>>
      tpu.wait_dma2 semaphore(%run_scoped3A : memref<!tpu.dma_semaphore, #tpu.memory_space<semaphore_mem>>) src(%arg10 : memref<16x128xf32, #tpu.memory_space<vmem>>) dst(%dma_wait3A_60 : memref<16x128xf32, #tpu.memory_space<hbm>>)
      tpu.yield
    }) : () -> ()
    %mul3A_52 = arith.constant 16 : i32
    %mul3A_53 = arith.muli %add3A, %mul3A_52 : i32
    "tpu.region"() ({
      %run_scoped3A = tpu.sem_alloc : memref<!tpu.dma_semaphore, #tpu.memory_space<semaphore_mem>>
      %dma_start3A_54 = arith.constant 0 : i32
      %dma_start3A_55 = tpu.memref_slice %arg6[%mul3A_53, %dma_start3A_54] : memref<512x128xf32, #tpu.memory_space<hbm>> -> memref<16x128xf32, #tpu.memory_space<hbm>>
      %dma_start3A_56 = arith.constant 0 : i32
      %dma_start3A_57 = tpu.memref_slice %arg6[%mul3A_53, %dma_start3A_56] : memref<512x128xf32, #tpu.memory_space<hbm>> -> memref<16x128xf32, #tpu.memory_space<hbm>>
      tpu.enqueue_dma source(%arg11 : memref<16x128xf32, #tpu.memory_space<vmem>>) target(%dma_start3A_57 : memref<16x128xf32, #tpu.memory_space<hbm>>) target_semaphore(%run_scoped3A : memref<!tpu.dma_semaphore, #tpu.memory_space<semaphore_mem>>)
      %dma_wait3A = arith.constant 0 : i32
      %dma_wait3A_58 = tpu.memref_slice %arg6[%mul3A_53, %dma_wait3A] : memref<512x128xf32, #tpu.memory_space<hbm>> -> memref<16x128xf32, #tpu.memory_space<hbm>>
      %dma_wait3A_59 = arith.constant 0 : i32
      %dma_wait3A_60 = tpu.memref_slice %arg6[%mul3A_53, %dma_wait3A_59] : memref<512x128xf32, #tpu.memory_space<hbm>> -> memref<16x128xf32, #tpu.memory_space<hbm>>
      tpu.wait_dma2 semaphore(%run_scoped3A : memref<!tpu.dma_semaphore, #tpu.memory_space<semaphore_mem>>) src(%arg11 : memref<16x128xf32, #tpu.memory_space<vmem>>) dst(%dma_wait3A_60 : memref<16x128xf32, #tpu.memory_space<hbm>>)
      tpu.yield
    }) : () -> ()
    return
  }
}

</mosaic_0001>

<sc_bundles>
// kernel: _sc_hist.3.cloned.1.call-start
scs
__scs_entry_jumppad:
0x0: {  	(pc) =	sbr.rel $0x88, $3  }
0x1: {  	(tag) =	ssettag $0x0;
	lr =	simm.s32 $0x1  }
0x2: {  	[smem:$0x3F9E] =	sst lr;
	_ =	strace $0xD0000000  }
0x3: {  	_ = 	snop  }
0x4: {  	_ = 	snop  }
0x5: {  	_ = 	snop  }
0x6: {  	_ = 	snop  }
0x7: {  	_ = 	snop  }
__scs_overlays_trampoline_lowered:
0x8: {  	[smem:$0x3FAD] =	sst s0  }
0x9: {  	[smem:$0x3FAE] =	sst s1  }
0xa: {  	[smem:$0x3FAF] =	sst s2  }
0xb: {  	[smem:$0x3FB0] =	sst s3  }
0xc: {  	[smem:$0x3FB1] =	sst s4  }
0xd: {  	[smem:$0x3FB2] =	sst s5  }
0xe: {  	[smem:$0x3FB3] =	sst s6  }
0xf: {  	[smem:$0x3FB4] =	sst s7  }
0x10: {  	[smem:$0x3FB5] =	sst s8  }
0x11: {  	[smem:$0x3FB6] =	sst s9;
	s0 =	simm.s32 @!p0 $0x0  }
0x12: {  	s1 =	sld [smem:$0x3F9C];
	s0 =	simm.s32 @p0 $0x1  }
0x13: {  	[smem:$0x3FB7] =	sst s0;
	s0 =	simm.s32 @!p1 $0x0  }
0x14: {  	s2 =	sld [smem:$0x3F9B];
	s0 =	simm.s32 @p1 $0x1  }
0x15: {  	[smem:$0x3FB8] =	sst s0;
	s0 =	simm.s32 @!p2 $0x0  }
0x16: {  	s3 =	sld [smem:$0x3FDB];
	s0 =	simm.s32 @p2 $0x1  }
0x17: {  	s4 =	simm.s32 $0x1BF5;
	[smem:$0x3FBA] =	sst s0  }
0x18: {  	s0 =	sld [smem:$0x3F9D];
	_ =	swait.ge [sflag:s4], $0x0  }
0x19: {  	s7 =	sld [smem:$0x3F9E]  }
0x1a: {  	s8 =	sadd.s32 $0xFFFFE003, lr  }
0x1b: {  	s9 =	sadd.s32 $0xFFFFFEF7, lr;
	s5 =	simm.s32 $0xFFFFFFFF;
	p2 =	slt.u32 s8, $0xFFFFF086  }
0x1c: {  	p1 =	slt.u32 s9, $0xF7A;
	s5 =	simm.s32 @!p2 $0x0  }
0x1d: {  	s5 =	simm.s32 @p1 $0x1;
	p0 =	seq.s32 s7, s2  }
0x1e: {  	s7 =	smul.u32 @!p0 $0xF7A, s2;
	p2 =	seq.s32 @!p0 s5, $0x0  }
0x1f: {  	s9 =	smul.u32 $0xF7A, s1;
	s8 =	simm.s32 @!p0 $0x1BF5;
	p2 =	por !p2, p0  }
0x20: {  	[sflag:s8] =	ssyncset.s32 @!p0 $0xFFFFF086;
	s6 =	sadd.s32 @!p0 s3, s7;
	s7 =	simm.s32 @!p0 $0x108  }
0x21: {  	s3 =	sadd.s32 s3, s9;
	s6 =	sadd.s32 @!p0 $0x88, s6;
	s7 =	simm.s32 @p2 $0x1082  }
0x22: {  	[simem:s7], [sflag:s8] =	dma.local @!p0 [hbm:s6], $0xF7A  }
0x23: {  	s9 =	sor.u32 $0xD0000000, s2;
	s6 =	simm.s32 $0x108;
	_ =	swait.ge @!p0 [sflag:s8], $0x0  }
0x24: {  	s3 =	sadd.s32 $0x88, s3;
	s6 =	simm.s32 @!p1 $0x1082;
	[sflag:s4] =	ssyncset.s32 $0xFFFFF086  }
0x25: {  	[simem:s6], [sflag:s4] =	dma.local [hbm:s3], $0xF7A  }
0x26: {  	[smem:$0x3F9E] =	sst s1;
	(tag) =	ssettag s2;
	_ =	strace s9  }
0x27: {  	s1 =	sld [smem:$0x3FAE]  }
0x28: {  	s2 =	sld [smem:$0x3FAF]  }
0x29: {  	s4 =	sld [smem:$0x3FB1]  }
0x2a: {  	p0 =	seq.s32 s5, $0x0;
	s5 =	sld [smem:$0x3FB2]  }
0x2b: {  	s6 =	sld [smem:$0x3FB3]  }
0x2c: {  	s7 =	sld [smem:$0x3FB4]  }
0x2d: {  	s3 =	simm.s32 $0x108;
	s8 =	sld [smem:$0x3FB5]  }
0x2e: {  	s3 =	simm.s32 @!p0 $0x1082;
	s9 =	sld [smem:$0x3FB6]  }
0x2f: {  	lr =	sadd.s32 s0, s3;
	s0 =	sld [smem:$0x3FAD]  }
0x30: {  	s3 =	sld [smem:$0x3FB0]  }
0x31: {  	[smem:$0x3FB9] =	sst s10  }
0x32: {  	s10 =	sld [smem:$0x3FB7];
	_ =	sdelay $0x3  }
0x33: {  	p0 =	seq.s32 s10, $0x1;
	s10 =	sld [smem:$0x3FB9];
	_ =	sdelay $0x3  }
0x34: {  	[smem:$0x3FB9] =	sst s10  }
0x35: {  	s10 =	sld [smem:$0x3FB8];
	_ =	sdelay $0x3  }
0x36: {  	p1 =	seq.s32 s10, $0x1;
	s10 =	sld [smem:$0x3FB9];
	_ =	sdelay $0x3  }
0x37: {  	[smem:$0x3FB9] =	sst s10  }
0x38: {  	s10 =	sld [smem:$0x3FBA]  }
0x39: {  	_ = 	snop;
	(pc) =	sbr.ind lr, $3  }
0x3a: {  	_ = 	snop  }
0x3b: {  	_ = 	snop  }
0x3c: {  	p2 =	seq.s32 s10, $0x1;
	s10 =	sld [smem:$0x3FB9]  }
0x3d: {  	_ =	shalt  }
0x3e: {  	_ =	shalt  }
0x3f: {  	_ =	shalt  }
0x40: {  	_ =	shalt  }
0x41: {  	_ =	shalt  }
0x42: {  	_ =	shalt  }
0x43: {  	_ =	shalt  }
0x44: {  	_ =	shalt  }
0x45: {  	_ =	shalt  }
0x46: {  	_ =	shalt  }
0x47: {  	_ =	shalt  }
0x48: {  	_ =	shalt  }
0x49: {  	_ =	shalt  }
0x4a: {  	_ =	shalt  }
0x4b: {  	_ =	shalt  }
0x4c: {  	_ =	shalt  }
0x4d: {  	_ =	shalt  }
0x4e: {  	_ =	shalt  }
0x4f: {  	_ =	shalt  }
0x50: {  	_ =	shalt  }
0x51: {  	_ =	shalt  }
0x52: {  	_ =	shalt  }
0x53: {  	_ =	shalt  }
0x54: {  	_ =	shalt  }
0x55: {  	_ =	shalt  }
0x56: {  	_ =	shalt  }
0x57: {  	_ =	shalt  }
0x58: {  	_ =	shalt  }
0x59: {  	_ =	shalt  }
0x5a: {  	_ =	shalt  }
0x5b: {  	_ =	shalt  }
0x5c: {  	_ =	shalt  }
0x5d: {  	_ =	shalt  }
0x5e: {  	_ =	shalt  }
0x5f: {  	_ =	shalt  }
0x60: {  	_ =	shalt  }
0x61: {  	_ =	shalt  }
0x62: {  	_ =	shalt  }
0x63: {  	_ =	shalt  }
0x64: {  	_ =	shalt  }
0x65: {  	_ =	shalt  }
0x66: {  	_ =	shalt  }
0x67: {  	_ =	shalt  }
0x68: {  	_ =	shalt  }
0x69: {  	_ =	shalt  }
0x6a: {  	_ =	shalt  }
0x6b: {  	_ =	shalt  }
0x6c: {  	_ =	shalt  }
0x6d: {  	_ =	shalt  }
0x6e: {  	_ =	shalt  }
0x6f: {  	_ =	shalt  }
0x70: {  	_ =	shalt  }
0x71: {  	_ =	shalt  }
0x72: {  	_ =	shalt  }
0x73: {  	_ =	shalt  }
0x74: {  	_ =	shalt  }
0x75: {  	_ =	shalt  }
0x76: {  	_ =	shalt  }
0x77: {  	_ =	shalt  }
0x78: {  	_ =	shalt  }
0x79: {  	_ =	shalt  }
0x7a: {  	_ =	shalt  }
0x7b: {  	_ =	shalt  }
0x7c: {  	_ =	shalt  }
0x7d: {  	_ =	shalt  }
0x7e: {  	_ =	shalt  }
0x7f: {  	_ =	shalt  }
0x80: {  	_ =	shalt  }
0x81: {  	_ =	shalt  }
0x82: {  	_ =	shalt  }
0x83: {  	_ =	shalt  }
0x84: {  	_ =	shalt  }
0x85: {  	_ =	shalt  }
0x86: {  	_ =	shalt  }
0x87: {  	_ =	shalt  }
.Lfunc_end0:
.L_simem_size_0:
called_computation_lowered:
.L_overlay_start_0:
0x88: {  	s2 =	sld [smem:$0x3FD9]  }
0x89: {  	s3 =	sld [smem:$0x3FFE];
	_ =	sdelay $0x1  }
0x8a: {  	s1 =	srdreg.scid  }
0x8b: {  	s0 =	sand.u32 $0x1, s1  }
0x8c: {  	s15 =	sshll.u32 s0, $0xA;
	s2 =	sadd.s32 s3, s2  }
0x8d: {  	s2 =	sadd.s32 s2, s15  }
0x8e: {  	[smem:$0x3FC5] =	sst s2  }
0x8f: {  	_ = 	snop  }
0x90: {  	s2 =	sld [smem:$0x3FD0]  }
0x91: {  	s16 =	sld [smem:$0x3FC9]  }
0x92: {  	s4 =	sld [smem:$0x3FC8]  }
0x93: {  	s6 =	simm.s32 $0xA;
	s7 =	simm.s32 $0x10;
	s5 =	sld [smem:$0x3FC7]  }
0x94: {  	[smem:s7], [sflag:s6] =	dma.local [hbm:s2], $0x1  }
0x95: {  	_ =	swait.eq [sflag:s6], $0x1  }
0x96: {  	[sflag:s6] =	ssyncset.done $0x0  }
0x97: {  	s17 =	sld [smem:$0x10];
	[sflag:s6] =	ssyncadd.s32 $0xFFFFFFFF  }
0x98: {  	s18 =	sld [smem:$0x11];
	(tm) =	ssettm $0x1  }
0x99: {  	s19 =	sld [smem:$0x3FFB];
	_ =	sdelay $0x3  }
0x9a: {  	_ =	strace s19  }
0x9b: {  	s7 =	sld [smem:$0x3FFC];
	_ =	sdelay $0x3  }
0x9c: {  	_ =	strace s7  }
0x9d: {  	s7 =	sld [smem:$0x3FFD];
	_ =	sdelay $0x3  }
0x9e: {  	_ =	strace s7  }
0x9f: {  	_ =	strace $0x8FFFFFFF  }
0xa0: {  	s20 =	sld [smem:$0x3FDB];
	_ =	sdelay $0x1  }
0xa1: {  	s8 =	simm.s32 $_scs_section_size  }
0xa2: {  	s9 =	simm.s32 $_size__tile_overlayer_lowered;
	s10 =	simm.s32 $_tile_overlayer_lowered  }
0xa3: {  	s23 =	simm.s32 $0x1BFF;
	s22 =	sshll.u32 s10, $0x1;
	s7 =	sadd.s32 s8, s20  }
0xa4: {  	s11 =	simm.s32 $0x0;
	s21 =	sshll.u32 s9, $0x1;
	s9 =	sadd.s32 s22, s7  }
0xa5: {  	[timem:s11], [sflag:s23] =	dma.local [hbm:s9], s21  }
0xa6: {  	_ =	swait.ge [sflag:s23], s21  }
0xa7: {  	s8 =	ssub.s32 $0x0, s21;
	[sflag:s23] =	ssyncset.done $0x0  }
0xa8: {  	[sflag:s23] =	ssyncadd.s32 s8;
	_ =	sdelay $0x1  }
0xa9: {  	s24 =	simm.s32 $0x1B8B  }
0xaa: {  	_ =	swait.ge [sflag:s24], $0x1  }
0xab: {  	[sflag:s24] =	ssyncset.done $0x0  }
0xac: {  	s25 =	simm.s32 $0x1B8E;
	[sflag:s24] =	ssyncadd.s32 $0xFFFFFFFF  }
0xad: {  	s26 =	simm.s32 $execute0_lowered;
	[smem:$0x3FD2] =	sst s25  }
0xae: {  	s8 =	sshll.u32 s26, $0x1;
	_ =	strace $0x80000046;
	[dreg:$0x1] =	wrdreg $0xFFFFFFFF  }
0xaf: {  	s28 =	simm.s32 $_size_execute0_lowered;
	s7 =	sadd.s32 s7, s8;
	[dreg:$0x0] =	wrdreg $0x0  }
0xb0: {  	s8 =	sshll.u32 s28, $0x1;
	[dreg:$0x2] =	wrdreg s7  }
0xb1: {  	[dreg:$0x3] =	wrdreg s8  }
0xb2: {  	[dreg:$0x4] =	wrdreg $0xC0  }
0xb3: {  	_ =	task [dreg:s11], $0x5FFFF  }
0xb4: {  	[dreg:$0x1] =	wrdreg $0xFFFFFFFF  }
0xb5: {  	[dreg:$0x0] =	wrdreg $0x60  }
0xb6: {  	[dreg:$0x2] =	wrdreg s16  }
0xb7: {  	[dreg:$0x3] =	wrdreg s4  }
0xb8: {  	[dreg:$0x4] =	wrdreg s5  }
0xb9: {  	[dreg:$0x5] =	wrdreg s17  }
0xba: {  	[dreg:$0x6] =	wrdreg s18  }
0xbb: {  	[dreg:$0x7] =	wrdreg $0x9  }
0xbc: {  	_ =	task.clear_ibuf [dreg:s11], $0x8FFFF;
	_ =	strace $0x90000046  }
0xbd: {  	s29 =	simm.s32 $0x9;
	_ =	strace $0x80000048  }
0xbe: {  	_ =	swait.ge [sflag:s29], $0x1  }
0xbf: {  	[sflag:s29] =	ssyncadd.s32 $0xFFFFFFFF  }
0xc0: {  	_ =	strace $0x90000048  }
0xc1: {  	_ =	sfence  }
0xc2: {  	s30 =	sld [smem:$0x0];
	_ =	sdelay $0x2  }
0xc3: {  	s31 =	sshll.u32 s1, $0xD;
	s1 =	sshrl.u32 s1, $0x2  }
0xc4: {  	s3 =	sand.u32 $0x4000, s31;
	s1 =	sadd.s32 s1, s30  }
0xc5: {  	s0 =	sor.u32 s3, s0;
	s1 =	sshll.u32 s1, $0x11  }
0xc6: {  	s0 =	sor.u32 s1, s0  }
0xc7: {  	s0 =	sadd.s32 $0x8F2B, s0  }
0xc8: {  	[sflag:s0] =	ssyncadd.remote.s32 $0x1  }
0xc9: {  	_ =	sfence.sel $0xFFFF  }
0xca: {  	[dreg:$0x0] =	wrdreg $0xFFFFFFFF;
	(pc) =	sbr.abs _section_cstart, $3  }
0xcb: {  	[dreg:$0x1] =	wrdreg $0xFFFFFFFF  }
0xcc: {  	_ =	task.clear_ibuf [dreg:s11], $0x2FFFF;
	_ =	strace $0x9FFFFFFF  }
0xcd: {  	(tm) =	ssettm $0x7FFFFFFF  }
tec
execute0_lowered:
.L_overlay_start_1:
0x0: {  	(tag) =	ssettag $0x1  }
0x1: {  	s0 =	rddreg [dreg:$0x0]  }
0x2: {  	s2 =	rddreg [dreg:$0x1]  }
0x3: {  	s3 =	rddreg [dreg:$0x2]  }
0x4: {  	s10 =	rddreg [dreg:$0x3];
	s4 =	srdreg.scid  }
0x5: {  	s1 =	stileid.u32;
	s11 =	rddreg [dreg:$0x4];
	s5 =	simm.s32 $0x0  }
0x6: {  	s14 =	simm.s32 $0x8000;
	s15 =	simm.s32 $0xC000;
	s16 =	simm.s32 $0xC800  }
0x7: {  	s17 =	simm.s32 $0x3;
	s6 =	sand.u32 $0x1, s4;
	s7 =	sshll.u32 s1, $0x1  }
0x8: {  	s18 =	simm.s32 $0x0;
	s4 =	rddreg [dreg:$0x5];
	s12 =	sor.u32 s6, s7  }
0x9: {  	[smem:$0x7FF] =	sst s5;
	s6 =	ssub.s32 $0x2, s6;
	s8 =	smul.u32 $0x3000, s12  }
0xa: {  	s31 =	sshrl.u32 s6, $0x1;
	s9 =	smul.u32 $0x18000, s12;
	s12 =	sshll.u32 s12, $0x8  }
0xb: {  	_ =	strace $0x80000047;
	s13 =	ssub.s32 s6, s31;
	s10 =	sadd.s32 s10, s12  }
0xc: {  	v1 =	vlaneseq.u32;
	s11 =	sadd.s32 s11, s12;
	s6 =	sadd.s32 s0, s8;
	s7 =	sadd.s32 s2, s8  }
0xd: {  	v0 =	vimm.f32 $0.0e+00;
	v2 =	vimm.f32 $1.000000000e+00;
	v1 =	vmul.u32 $0x80, v1;
	s8 =	sadd.s32 s3, s8;
	s12 =	smax.u32 s13, $0x1;
	s13 =	simm.s32 $0x4000  }
.LBB2_1:
0xe: {  	[tilespmem:s5], [sflag:$0x1] =	stream.linear.gather [hbm4b:s6+s5], $0x2000, $0x38;
	[tilespmem:$0xD000] =	vst v63  }
0xf: {  	_ = 	snop  }
0x10: {  	[tilespmem:s13], [sflag:$0x1] =	stream.linear.gather [hbm4b:s7+s5], $0x2000, $0x38;
	[tilespmem:$0xD000] =	vst v63  }
0x11: {  	s20 =	simm.s32 $0x0;
	s19 =	simm.s32 $0x200  }
0x12: {  	[tilespmem:s14], [sflag:$0x1] =	stream.linear.gather [hbm4b:s8+s5], $0x2000, $0x38;
	[tilespmem:$0xD000] =	vst v63  }
.LBB2_2:
0x13: {  	p0 =	seq.s32 s19, $0x1E00;
	[tilespmem:s20+$0xC870] =	vst v0  }
0x14: {  	[tilespmem:s20+$0xC000] =	vst v0  }
0x15: {  	[tilespmem:s20+$0xC800] =	vst v0  }
0x16: {  	[tilespmem:s20+$0xC010] =	vst v0  }
0x17: {  	[tilespmem:s20+$0xC810] =	vst v0  }
0x18: {  	[tilespmem:s20+$0xC020] =	vst v0  }
0x19: {  	[tilespmem:s20+$0xC820] =	vst v0  }
0x1a: {  	[tilespmem:s20+$0xC030] =	vst v0  }
0x1b: {  	[tilespmem:s20+$0xC830] =	vst v0  }
0x1c: {  	[tilespmem:s20+$0xC040] =	vst v0  }
0x1d: {  	[tilespmem:s20+$0xC840] =	vst v0  }
.Ltmp0:
0x1e: {  	[tilespmem:s20+$0xC050] =	vst v0;
	(pc) =	sbr.rel @!p0 .LBB2_2-.Ltmp0, $4  }
0x1f: {  	[tilespmem:s20+$0xC850] =	vst v0  }
0x20: {  	[tilespmem:s20+$0xC060] =	vst v0  }
0x21: {  	[tilespmem:s20+$0xC860] =	vst v0  }
0x22: {  	[tilespmem:s20+$0xC070] =	vst v0;
	s20 =	sshra.s32 s19, $0x2;
	s19 =	sadd.s32 $0x200, s19  }
0x23: {  	[tilespmem:s20+$0xC870] =	vst v0  }
0x24: {  	[tilespmem:s20+$0xC000] =	vst v0  }
0x25: {  	[tilespmem:s20+$0xC800] =	vst v0  }
0x26: {  	[tilespmem:s20+$0xC010] =	vst v0  }
0x27: {  	[tilespmem:s20+$0xC810] =	vst v0  }
0x28: {  	[tilespmem:s20+$0xC020] =	vst v0  }
0x29: {  	[tilespmem:s20+$0xC820] =	vst v0  }
0x2a: {  	[tilespmem:s20+$0xC030] =	vst v0  }
0x2b: {  	[tilespmem:s20+$0xC830] =	vst v0  }
0x2c: {  	[tilespmem:s20+$0xC040] =	vst v0  }
0x2d: {  	[tilespmem:s20+$0xC840] =	vst v0  }
0x2e: {  	[tilespmem:s20+$0xC050] =	vst v0  }
0x2f: {  	[tilespmem:s20+$0xC850] =	vst v0  }
0x30: {  	[tilespmem:s20+$0xC060] =	vst v0  }
0x31: {  	[tilespmem:s20+$0xC860] =	vst v0  }
0x32: {  	s19 =	simm.s32 $0x0;
	[tilespmem:s20+$0xC070] =	vst v0;
	s20 =	simm.s32 $0x0  }
.LBB2_5:
0x33: {  	s22 =	sand.u32 $0x1, s20  }
0x34: {  	s21 =	smov.u32 s20;
	s20 =	sadd.s32 $0x1, s20;
	p0 =	seq.s32 s22, $0x1  }
0x35: {  	s23 =	sshll.u32 @!p0 s20, $0xD  }
0x36: {  	s23 =	sadd.s32 @!p0 s9, s23  }
0x37: {  	s23 =	sshrl.u32 @!p0 s23, $0x3  }
0x38: {  	s25 =	simm.s32 @!p0 $0x0;
	s26 =	simm.s32 @!p0 $0x2000;
	s24 =	sadd.s32 @!p0 s0, s23  }
0x39: {  	[tilespmem:s26], [sflag:$0x2] =	stream.linear.gather @!p0 [hbm4b:s24+s25], $0x2000, $0x38;
	[tilespmem:$0xD000] =	vst v63  }
0x3a: {  	p1 =	seq.s32 s21, $0xB;
	s24 =	sadd.s32 @!p0 s2, s23;
	s26 =	simm.s32 @!p0 $0x6000  }
0x3b: {  	[tilespmem:s26], [sflag:$0x2] =	stream.linear.gather @!p0 [hbm4b:s24+s25], $0x2000, $0x38;
	[tilespmem:$0xD000] =	vst v63  }
0x3c: {  	p1 =	por !p0, p1;
	s23 =	sadd.s32 @!p0 s3, s23;
	s24 =	simm.s32 @!p0 $0xA000  }
0x3d: {  	[tilespmem:s24], [sflag:$0x2] =	stream.linear.gather @!p0 [hbm4b:s23+s25], $0x2000, $0x38;
	[tilespmem:$0xD000] =	vst v63  }
0x3e: {  	s23 =	sshll.u32 @!p1 s20, $0xD  }
0x3f: {  	s23 =	sadd.s32 @!p1 s9, s23  }
0x40: {  	s23 =	sshrl.u32 @!p1 s23, $0x3  }
0x41: {  	s25 =	simm.s32 @!p1 $0x0;
	s24 =	sadd.s32 @!p1 s0, s23  }
0x42: {  	[tilespmem:s25], [sflag:$0x1] =	stream.linear.gather @!p1 [hbm4b:s24+s25], $0x2000, $0x38;
	[tilespmem:$0xD000] =	vst v63  }
0x43: {  	s26 =	simm.s32 @!p1 $0x4000;
	s24 =	sadd.s32 @!p1 s2, s23  }
0x44: {  	[tilespmem:s26], [sflag:$0x1] =	stream.linear.gather @!p1 [hbm4b:s24+s25], $0x2000, $0x38;
	[tilespmem:$0xD000] =	vst v63  }
0x45: {  	s23 =	sadd.s32 @!p1 s3, s23;
	s24 =	simm.s32 @!p1 $0x8000  }
0x46: {  	[tilespmem:s24], [sflag:$0x1] =	stream.linear.gather @!p1 [hbm4b:s23+s25], $0x2000, $0x38;
	[tilespmem:$0xD000] =	vst v63  }
0x47: {  	p1 =	sne.s32 s22, $0x0  }
0x48: {  	s22 =	simm.s32 @!p1 $0x1  }
0x49: {  	_ =	swait.ge @!p1 [sflag:s22], $0x2000  }
0x4a: {  	[sflag:s22] =	ssyncset.done @!p1 $0x0  }
0x4b: {  	[sflag:s22] =	ssyncadd.s32 @!p1 $0xFFFFE000  }
0x4c: {  	_ =	swait.ge @!p1 [sflag:s22], $0x2000  }
0x4d: {  	[sflag:s22] =	ssyncset.done @!p1 $0x0  }
0x4e: {  	[sflag:s22] =	ssyncadd.s32 @!p1 $0xFFFFE000  }
0x4f: {  	_ =	swait.ge @!p1 [sflag:s22], $0x2000  }
0x50: {  	[sflag:s22] =	ssyncset.done @!p1 $0x0  }
0x51: {  	[sflag:s22] =	ssyncadd.s32 @!p1 $0xFFFFE000;
	s22 =	simm.s32 @p0 $0x2  }
0x52: {  	_ =	swait.ge @p0 [sflag:s22], $0x2000  }
0x53: {  	[sflag:s22] =	ssyncset.done @p0 $0x0  }
0x54: {  	[sflag:s22] =	ssyncadd.s32 @p0 $0xFFFFE000  }
0x55: {  	s28 =	simm.s32 $0x0;
	_ =	swait.ge @p0 [sflag:s22], $0x2000  }
0x56: {  	s29 =	simm.s32 $0x0;
	s30 =	sand.u32 $0xC00, s19;
	[sflag:s22] =	ssyncset.done @p0 $0x0  }
0x57: {  	s21 =	sshll.u32 s21, $0xD;
	s23 =	sand.u32 $0x3E00, s28;
	[sflag:s22] =	ssyncadd.s32 @p0 $0xFFFFE000  }
0x58: {  	s24 =	sand.u32 $0x380, s29;
	s23 =	sadd.s32 s21, s23;
	_ =	swait.ge @p0 [sflag:s22], $0x2000  }
0x59: {  	s24 =	sor.u32 s30, s24;
	s23 =	sand.u32 $0x3000, s23;
	[sflag:s22] =	ssyncset.done @p0 $0x0  }
0x5a: {  	s31 =	sor.u32 s23, s24;
	[sflag:s22] =	ssyncadd.s32 @p0 $0xFFFFE000  }
0x5b: {  	v3 =	vld [tilespmem:s31+$0x8070]  }
0x5c: {  	v4 =	vld [tilespmem:s31+$0x70]  }
0x5d: {  	v5 =	vld [tilespmem:s31+$0x4070]  }
0x5e: {  	v6 =	vld [tilespmem:s31+$0x0]  }
0x5f: {  	v7 =	vld [tilespmem:s31+$0x4000]  }
0x60: {  	v8 =	vld [tilespmem:s31+$0x10]  }
0x61: {  	v9 =	vld [tilespmem:s31+$0x4010]  }
0x62: {  	v10 =	vld [tilespmem:s31+$0x20]  }
0x63: {  	v11 =	vld [tilespmem:s31+$0x30]  }
0x64: {  	v12 =	vld [tilespmem:s31+$0x4040]  }
0x65: {  	v13 =	vld [tilespmem:s31+$0x50]  }
0x66: {  	v14 =	vld [tilespmem:s31+$0x8000]  }
0x67: {  	v15 =	vld [tilespmem:s31+$0x4050]  }
0x68: {  	v16 =	vld [tilespmem:s31+$0x8010]  }
0x69: {  	v17 =	vld [tilespmem:s31+$0x60];
	v3 =	vadd.s32 v1, v3  }
0x6a: {  	v18 =	vld [tilespmem:s31+$0x8020]  }
0x6b: {  	v19 =	vld [tilespmem:s31+$0x4060];
	v4 =	vsub.f32 v4, v5  }
0x6c: {  	v20 =	vld [tilespmem:s31+$0x8030]  }
0x6d: {  	v5 =	vld [tilespmem:s31+$0x4020];
	v4 =	vand.u32 $0x7FFFFFFF, v4  }
0x6e: {  	[tilespmem:v3+s15+$0x0] =	vst.idx.add.f32.msk $0xffff, v4  }
0x6f: {  	[tilespmem:v3+s16+$0x0] =	vst.idx.add.f32.msk $0xffff, v2  }
0x70: {  	v14 =	vadd.s32 v1, v14;
	v3 =	vld [tilespmem:s31+$0x4030]  }
0x71: {  	v21 =	vld [tilespmem:s31+$0x8040];
	v16 =	vadd.s32 v1, v16  }
0x72: {  	v6 =	vsub.f32 v6, v7;
	v4 =	vld [tilespmem:s31+$0x40]  }
0x73: {  	v22 =	vld [tilespmem:s31+$0x8050];
	v7 =	vsub.f32 v8, v9;
	v9 =	vsub.f32 v13, v15  }
0x74: {  	v23 =	vld [tilespmem:s31+$0x8060];
	v6 =	vand.u32 $0x7FFFFFFF, v6;
	v5 =	vsub.f32 v10, v5;
	v10 =	vadd.s32 v1, v18  }
0x75: {  	v7 =	vand.u32 $0x7FFFFFFF, v7;
	[tilespmem:v14+s15+$0x0] =	vst.idx.add.f32.msk $0xffff, v6;
	v3 =	vsub.f32 v11, v3  }
0x76: {  	[tilespmem:v16+s15+$0x0] =	vst.idx.add.f32.msk $0xffff, v7;
	v7 =	vand.u32 $0x7FFFFFFF, v9;
	v11 =	vadd.s32 v1, v20  }
0x77: {  	[tilespmem:v14+s16+$0x0] =	vst.idx.add.f32.msk $0xffff, v2;
	v4 =	vsub.f32 v4, v12;
	v8 =	vand.u32 $0x7FFFFFFF, v3;
	v3 =	vsub.f32 v17, v19  }
0x78: {  	v9 =	vadd.s32 v1, v21;
	[tilespmem:v16+s16+$0x0] =	vst.idx.add.f32.msk $0xffff, v2;
	v63 =	vand.u32 $0x7FFFFFFF, v5;
	v5 =	vadd.s32 v1, v22  }
0x79: {  	s23 =	simm.s32 $0x0;
	s22 =	simm.s32 $0x0;
	[tilespmem:v10+s15+$0x0] =	vst.idx.add.f32.msk $0xffff, v63;
	v6 =	vand.u32 $0x7FFFFFFF, v4;
	v4 =	vadd.s32 v1, v23;
	v3 =	vand.u32 $0x7FFFFFFF, v3  }
.LBB2_6:
0x7a: {  	s22 =	sadd.s32 $0x8, s22;
	[tilespmem:v10+s16+$0x0] =	vst.idx.add.f32.msk $0xffff, v2  }
0x7b: {  	s24 =	sshll.u32 s22, $0x4;
	p0 =	slt.u32 s22, $0x1F8;
	[tilespmem:v11+s15+$0x0] =	vst.idx.add.f32.msk $0xffff, v8  }
0x7c: {  	s23 =	sadd.s32 $0x400, s23;
	s25 =	sshll.u32 s22, $0x2;
	s24 =	sand.u32 $0x3E00, s24;
	[tilespmem:v11+s16+$0x0] =	vst.idx.add.f32.msk $0xffff, v2  }
0x7d: {  	s26 =	sand.u32 $0xC00, s23;
	s25 =	sand.u32 $0x380, s25;
	s24 =	sadd.s32 s21, s24;
	[tilespmem:v9+s15+$0x0] =	vst.idx.add.f32.msk $0xffff, v6  }
0x7e: {  	s25 =	sor.u32 s26, s25;
	s24 =	sand.u32 $0x3000, s24;
	[tilespmem:v9+s16+$0x0] =	vst.idx.add.f32.msk $0xffff, v2  }
0x7f: {  	s24 =	sor.u32 s24, s25;
	[tilespmem:v5+s15+$0x0] =	vst.idx.add.f32.msk $0xffff, v7  }
0x80: {  	v6 =	vld [tilespmem:s24+$0x8070]  }
0x81: {  	v7 =	vld [tilespmem:s24+$0x70]  }
0x82: {  	v8 =	vld [tilespmem:s24+$0x4070]  }
0x83: {  	v9 =	vld [tilespmem:s24+$0x0]  }
0x84: {  	v10 =	vld [tilespmem:s24+$0x4000]  }
0x85: {  	v11 =	vld [tilespmem:s24+$0x10];
	v6 =	vadd.s32 v1, v6  }
0x86: {  	v12 =	vld [tilespmem:s24+$0x4010]  }
0x87: {  	v13 =	vld [tilespmem:s24+$0x20];
	v7 =	vsub.f32 v7, v8  }
0x88: {  	v8 =	vld [tilespmem:s24+$0x4020]  }
0x89: {  	v9 =	vsub.f32 v9, v10;
	v10 =	vld [tilespmem:s24+$0x30];
	v7 =	vand.u32 $0x7FFFFFFF, v7  }
0x8a: {  	[tilespmem:v6+s15+$0x0] =	vst.idx.add.f32.msk $0xffff, v7  }
0x8b: {  	v14 =	vand.u32 $0x7FFFFFFF, v9;
	v7 =	vsub.f32 v11, v12;
	[tilespmem:v6+s16+$0x0] =	vst.idx.add.f32.msk $0xffff, v2  }
0x8c: {  	v6 =	vld [tilespmem:s24+$0x4030]  }
0x8d: {  	v12 =	vand.u32 $0x7FFFFFFF, v7;
	v7 =	vsub.f32 v13, v8;
	v9 =	vld [tilespmem:s24+$0x40]  }
0x8e: {  	v11 =	vld [tilespmem:s24+$0x4040]  }
0x8f: {  	v13 =	vand.u32 $0x7FFFFFFF, v7;
	v7 =	vld [tilespmem:s24+$0x50]  }
0x90: {  	v15 =	vld [tilespmem:s24+$0x4050]  }
0x91: {  	v6 =	vsub.f32 v10, v6;
	v10 =	vld [tilespmem:s24+$0x60]  }
0x92: {  	v16 =	vld [tilespmem:s24+$0x4060]  }
0x93: {  	v17 =	vld [tilespmem:s24+$0x8000];
	v8 =	vand.u32 $0x7FFFFFFF, v6;
	v6 =	vsub.f32 v9, v11  }
0x94: {  	v9 =	vld [tilespmem:s24+$0x8010]  }
0x95: {  	v11 =	vld [tilespmem:s24+$0x8020];
	v6 =	vand.u32 $0x7FFFFFFF, v6;
	v7 =	vsub.f32 v7, v15  }
0x96: {  	v15 =	vld [tilespmem:s24+$0x8030]  }
0x97: {  	v18 =	vld [tilespmem:s24+$0x8040];
	v7 =	vand.u32 $0x7FFFFFFF, v7;
	v10 =	vsub.f32 v10, v16  }
0x98: {  	v16 =	vadd.s32 v1, v17;
	v17 =	vld [tilespmem:s24+$0x8050]  }
0x99: {  	v19 =	vadd.s32 v1, v9;
	v20 =	vld [tilespmem:s24+$0x8060];
	v9 =	vand.u32 $0x7FFFFFFF, v10  }
0x9a: {  	v10 =	vadd.s32 v1, v11;
	[tilespmem:v5+s16+$0x0] =	vst.idx.add.f32.msk $0xffff, v2  }
0x9b: {  	v11 =	vadd.s32 v1, v15;
	[tilespmem:v4+s15+$0x0] =	vst.idx.add.f32.msk $0xffff, v3;
	v3 =	vmov v9  }
0x9c: {  	v9 =	vadd.s32 v1, v18;
	[tilespmem:v4+s16+$0x0] =	vst.idx.add.f32.msk $0xffff, v2  }
.Ltmp1:
0x9d: {  	[tilespmem:v16+s15+$0x0] =	vst.idx.add.f32.msk $0xffff, v14;
	v5 =	vadd.s32 v1, v17;
	(pc) =	sbr.rel @p0 .LBB2_6-.Ltmp1, $4  }
0x9e: {  	[tilespmem:v16+s16+$0x0] =	vst.idx.add.f32.msk $0xffff, v2;
	v4 =	vadd.s32 v1, v20  }
0x9f: {  	[tilespmem:v19+s15+$0x0] =	vst.idx.add.f32.msk $0xffff, v12  }
0xa0: {  	[tilespmem:v19+s16+$0x0] =	vst.idx.add.f32.msk $0xffff, v2  }
0xa1: {  	[tilespmem:v10+s15+$0x0] =	vst.idx.add.f32.msk $0xffff, v13  }
0xa2: {  	_ =	sdelay $0x3  }
0xa3: {  	[tilespmem:v10+s16+$0x0] =	vst.idx.add.f32.msk $0xffff, v2  }
0xa4: {  	[tilespmem:v11+s15+$0x0] =	vst.idx.add.f32.msk $0xffff, v8  }
0xa5: {  	[tilespmem:v9+s15+$0x0] =	vst.idx.add.f32.msk $0xffff, v6  }
0xa6: {  	[tilespmem:v5+s15+$0x0] =	vst.idx.add.f32.msk $0xffff, v7  }
0xa7: {  	[tilespmem:v4+s15+$0x0] =	vst.idx.add.f32.msk $0xffff, v3  }
0xa8: {  	[tilespmem:v11+s16+$0x0] =	vst.idx.add.f32.msk $0xffff, v2  }
0xa9: {  	[tilespmem:v9+s16+$0x0] =	vst.idx.add.f32.msk $0xffff, v2  }
0xaa: {  	[tilespmem:v5+s16+$0x0] =	vst.idx.add.f32.msk $0xffff, v2  }
0xab: {  	[tilespmem:v4+s16+$0x0] =	vst.idx.add.f32.msk $0xffff, v2  }
0xac: {  	p0 =	seq.s32 s20, $0xC  }
.Ltmp2:
0xad: {  	_ = 	snop;
	(pc) =	sbr.rel @!p0 .LBB2_5-.Ltmp2, $1  }
0xae: {  	_ =	sdelay $0x3  }
0xaf: {  	[hbm4b:s10+s5] =	stream.linear.scatter [tilespmem:s15], [sflag:$0x3], $0x800, $0x38;
	[tilespmem:$0xD000] =	vst v63  }
0xb0: {  	s18 =	sadd.s32 $0x1, s18;
	_ =	swait.ge [sflag:s17], $0x800  }
0xb1: {  	p0 =	sne.s32 s18, s12;
	[sflag:s17] =	ssyncset.done $0x0  }
.Ltmp3:
0xb2: {  	[sflag:s17] =	ssyncadd.s32 $0xFFFFF800;
	(pc) =	sbr.rel @p0 .LBB2_1-.Ltmp3, $4  }
0xb3: {  	[hbm4b:s11+s5] =	stream.linear.scatter [tilespmem:s16], [sflag:$0x3], $0x800, $0x38;
	[tilespmem:$0xD000] =	vst v63  }
0xb4: {  	_ =	swait.ge [sflag:s17], $0x800  }
0xb5: {  	[sflag:s17] =	ssyncset.done $0x0  }
0xb6: {  	[sflag:s17] =	ssyncadd.s32 $0xFFFFF800  }
0xb7: {  	_ =	sfence.sel $0x180000  }
0xb8: {  	[bflag:$0x0] =	sbarrier.arrive $0xFFFF  }
0xb9: {  	p0 =	sne.s32 s1, $0x0;
	_ =	strace $0x90000047  }
0xba: {  	s0 =	sadd.s32 @!p0 $0x100000, s4;
	[bflag:$0x2] =	sbarrier.arrive $0xFFFF  }
0xbb: {  	[sflag:s0] =	ssyncadd.tile.s32 @!p0 $0x1;
	_ =	shalt  }
.Lfunc_end2:
_tile_overlayer_lowered:
.L_overlay_start_2:
0xbc: {  	(tag) =	ssettag $0x2  }
0xbd: {  	s0 =	rddreg [dreg:$0x0];
	s2 =	stileid.u32  }
0xbe: {  	s1 =	rddreg [dreg:$0x1];
	p0 =	sne.s32 s2, $0x0  }
0xbf: {  	s3 =	rddreg [dreg:$0x2];
	[bflag:$0x3] =	sbarrier.arrive $0xFFFF;
	s2 =	simm.s32 @!p0 $0x1C03  }
0xc0: {  	[timem:s3], [sflag:s2] =	dma.local @!p0 [hbm:s0], s1  }
0xc1: {  	s0 =	simm.s32 @!p0 $0x3  }
0xc2: {  	_ =	swait.ge @!p0 [sflag:s0], s1  }
0xc3: {  	s1 =	ssub.s32 @!p0 $0x0, s1;
	[sflag:s0] =	ssyncset.done @!p0 $0x0  }
0xc4: {  	[sflag:s0] =	ssyncadd.s32 @!p0 s1  }
0xc5: {  	[bflag:$0x3] =	sbarrier.arrive $0xFFFF  }
0xc6: {  	_ =	shalt  }

</sc_bundles>
